<compile_context>
chip_gen: v7x
topology: tpu7x:2x2x1
jax: 0.10.2.dev20260603
libtpu: 0.0.44.dev20260713+nightly
codegen_flags: <defaults>
</compile_context>

<pallas_src>
import functools

import jax
import jax.numpy as jnp
from jax import lax
from jax.experimental import pallas as pl
from jax.experimental.pallas import tpu as pltpu
from jax.experimental.pallas import tpu_sc as plsc

B = 16384
F = 26
V = 100000
D = 13
NC = 2
NS = 16
L = 16
FPC = F // NC
CHUNK = B // 2
QRT = B // 4


@functools.lru_cache(maxsize=1)
def _build():
    mesh = plsc.VectorSubcoreMesh(core_axis_name="c", subcore_axis_name="s",
                                  num_cores=NC, num_subcores=NS)
    params = pltpu.CompilerParams(needs_layout_passes=False)

    @functools.partial(
        pl.kernel,
        out_type=jax.ShapeDtypeStruct((F, B), jnp.float32),
        mesh=mesh,
        compiler_params=params,
        scratch_types=[
            pltpu.VMEM((1, V), jnp.float32),
            pltpu.VMEM((1, B), jnp.int32),
            pltpu.VMEM((2, QRT), jnp.float32),
            pltpu.SemaphoreType.DMA,
            pltpu.SemaphoreType.DMA,
        ],
    )
    def _lookup(w_hbm, idx_hbm, out_hbm, row_v, idx_v, col_v, sem_w, sem_o):
        c = lax.axis_index("c")
        s = lax.axis_index("s")

        @pl.when(s < FPC)
        def _gather_field():
            f = c * FPC + s
            zero = jnp.zeros((L,), jnp.int32)
            row_cp = pltpu.async_copy(w_hbm.at[pl.ds(f, 1), :], row_v, sem_w)
            pltpu.sync_copy(idx_hbm.at[pl.ds(f, 1), :], idx_v)
            row_cp.wait()
            out_cps = []
            for h in range(B // QRT):
                b = h % 2
                if h >= 2:
                    out_cps[h - 2].wait()

                @plsc.parallel_loop(0, QRT, L, unroll=8)
                def _(i):
                    col_v[b, pl.ds(i, L)] = plsc.load_gather(
                        row_v, [zero, idx_v[0, pl.ds(h * QRT + i, L)]])

                out_cps.append(pltpu.async_copy(
                    col_v.at[pl.ds(b, 1), :],
                    out_hbm.at[pl.ds(f, 1), pl.ds(h * QRT, QRT)], sem_o))
            out_cps[-2].wait()
            out_cps[-1].wait()

    return _lookup


def _combine_tc(cols_ref, dense_ref, wd_ref, c0_ref, out_ref):
    s = jnp.sum(cols_ref[...], axis=0, keepdims=True)
    dn = jnp.sum(dense_ref[...] * wd_ref[...], axis=0, keepdims=True)
    x = s + dn + c0_ref[0, 0]
    out_ref[...] = 1.0 / (1.0 + jnp.exp(-x))


def kernel(sparse_features, dense_features, W_sparse, W_dense, b_dense, bias):
    idx_t = sparse_features.T
    dense_t = dense_features.T
    wd = W_dense.reshape(D, 1)
    c0 = (bias + b_dense).reshape(1, 1)
    lookup = _build()
    cols = lookup(W_sparse, idx_t)
    out = pl.pallas_call(
        _combine_tc,
        out_shape=jax.ShapeDtypeStruct((1, B), jnp.float32),
    )(cols, dense_t, wd, c0)
    return out.reshape(B)

# --- scband reference (transcript-rebuilt; emitter-appended) ---
"""Pipeline reference for scband-logistic-regression-79113297592564 (READ-ONLY COPY).

The authoritative reference and input builder live on the scoring server;
editing this copy changes nothing except your own understanding.
"""

import jax, jax.numpy as jnp
import numpy as np

B = 16384
F = 26
V = 100000
D = 13


def setup_inputs(seed: int = 0) -> dict:
    key = jax.random.key(seed)
    k1, k2, k3, k4, k5, k6 = jax.random.split(key, 6)
    sparse_features = jax.random.randint(k1, (B, F), 0, V, dtype=jnp.int32)
    dense_features = jax.random.normal(k2, (B, D), dtype=jnp.float32)
    # learned params: one weight-table (vocab x 1) per sparse field; all vocabs equal
    # so we pack them into a single [F, V] array (field i -> row i).
    W_sparse = jax.random.normal(k3, (F, V), dtype=jnp.float32) * 0.01
    W_dense = jax.random.normal(k4, (1, D), dtype=jnp.float32) * 0.01
    b_dense = jax.random.normal(k5, (1,), dtype=jnp.float32) * 0.01
    bias = jax.random.normal(k6, (1,), dtype=jnp.float32) * 0.01
    return {
        "sparse_features": sparse_features,
        "dense_features": dense_features,
        "W_sparse": W_sparse,
        "W_dense": W_dense,
        "b_dense": b_dense,
        "bias": bias,
    }


def reference(sparse_features, dense_features, W_sparse, W_dense, b_dense, bias):
    # per-field embedding lookup (embedding_dim = 1): gathered[b, i] = W_sparse[i, sparse_features[b, i]]
    gathered = jax.vmap(lambda w, idx: jnp.take(w, idx, axis=0), in_axes=(0, 1), out_axes=1)(
        W_sparse, sparse_features
    )  # [B, F]
    logits = bias[None, :] + jnp.sum(gathered, axis=1, keepdims=True)  # [B, 1]
    logits = logits + dense_features @ W_dense.T + b_dense  # [B, 1]
    pred = jax.nn.sigmoid(logits)
    return pred.squeeze(-1)  # 'ctr': [B]

if __name__ == "__main__":
    import jax
    _d = setup_inputs()
    print(jax.jit(kernel)(*tuple(_d.values())))

</pallas_src>

<mosaic_0001>
#map = affine_map<(d0, d1) -> (0, 0)>
module attributes {stable_mosaic.version = 14 : i64} {
  func.func @_lookup(%arg0: i32, %arg1: i32, %arg2: memref<26x100000xf32, #tpu.memory_space<hbm>>, %arg3: memref<26x16384xi32, #tpu.memory_space<hbm>>, %arg4: memref<26x16384xf32, #tpu.memory_space<hbm>>, %arg5: memref<1x100000xf32, #tpu.memory_space<vmem>>, %arg6: memref<1x16384xi32, #tpu.memory_space<vmem>>, %arg7: memref<2x4096xf32, #tpu.memory_space<vmem>>, %arg8: memref<!tpu.dma_semaphore, #tpu.memory_space<semaphore_mem>>, %arg9: memref<!tpu.dma_semaphore, #tpu.memory_space<semaphore_mem>>) attributes {dimension_semantics = [#tpu.dimension_semantics<core_parallel>, #tpu.dimension_semantics<subcore_parallel>], iteration_bounds = array<i64: 2, 16>, scalar_prefetch = 0 : i64, scratch_operands = 5 : i64, tpu.core_type = #tpu.core_type<sc_vector_subcore>, window_params = [{transform_indices = #map}, {transform_indices = #map}, {transform_indices = #map}]} {
    %lt3A = arith.constant 13 : i32
    %lt3A_0 = arith.cmpi slt, %arg1, %lt3A : i32
    %convert_element_type3A = arith.extui %lt3A_0 : i1 to i32
    %cond3A = arith.constant 0 : i32
    %cond3A_1 = arith.cmpi ne, %convert_element_type3A, %cond3A : i32
    scf.if %cond3A_1 {
      %mul3A = arith.constant 13 : i32
      %mul3A_2 = arith.muli %arg0, %mul3A : i32
      %add3A = arith.addi %mul3A_2, %arg1 : i32
      %broadcast_in_dim3A = arith.constant 0 : i32
      %broadcast_in_dim3A_3 = vector.broadcast %broadcast_in_dim3A : i32 to vector<16xi32>
      %dma_start3A = arith.constant 0 : i32
      %dma_start3A_4 = tpu.memref_slice %arg2[%add3A, %dma_start3A] : memref<26x100000xf32, #tpu.memory_space<hbm>> -> memref<1x100000xf32, #tpu.memory_space<hbm>>
      %dma_start3A_5 = arith.constant 0 : i32
      %dma_start3A_6 = tpu.memref_slice %arg2[%add3A, %dma_start3A_5] : memref<26x100000xf32, #tpu.memory_space<hbm>> -> memref<1x100000xf32, #tpu.memory_space<hbm>>
      tpu.enqueue_dma source(%dma_start3A_6 : memref<1x100000xf32, #tpu.memory_space<hbm>>) target(%arg5 : memref<1x100000xf32, #tpu.memory_space<vmem>>) target_semaphore(%arg8 : memref<!tpu.dma_semaphore, #tpu.memory_space<semaphore_mem>>)
      "tpu.region"() ({
        %run_scoped3A = tpu.sem_alloc : memref<!tpu.dma_semaphore, #tpu.memory_space<semaphore_mem>>
        %dma_start3A_101 = arith.constant 0 : i32
        %dma_start3A_102 = tpu.memref_slice %arg3[%add3A, %dma_start3A_101] : memref<26x16384xi32, #tpu.memory_space<hbm>> -> memref<1x16384xi32, #tpu.memory_space<hbm>>
        %dma_start3A_103 = arith.constant 0 : i32
        %dma_start3A_104 = tpu.memref_slice %arg3[%add3A, %dma_start3A_103] : memref<26x16384xi32, #tpu.memory_space<hbm>> -> memref<1x16384xi32, #tpu.memory_space<hbm>>
        tpu.enqueue_dma source(%dma_start3A_104 : memref<1x16384xi32, #tpu.memory_space<hbm>>) target(%arg6 : memref<1x16384xi32, #tpu.memory_space<vmem>>) target_semaphore(%run_scoped3A : memref<!tpu.dma_semaphore, #tpu.memory_space<semaphore_mem>>)
        %dma_wait3A_105 = arith.constant 0 : i32
        %dma_wait3A_106 = tpu.memref_slice %arg3[%add3A, %dma_wait3A_105] : memref<26x16384xi32, #tpu.memory_space<hbm>> -> memref<1x16384xi32, #tpu.memory_space<hbm>>
        %dma_wait3A_107 = arith.constant 0 : i32
        %dma_wait3A_108 = tpu.memref_slice %arg3[%add3A, %dma_wait3A_107] : memref<26x16384xi32, #tpu.memory_space<hbm>> -> memref<1x16384xi32, #tpu.memory_space<hbm>>
        tpu.wait_dma2 semaphore(%run_scoped3A : memref<!tpu.dma_semaphore, #tpu.memory_space<semaphore_mem>>) src(%dma_wait3A_108 : memref<1x16384xi32, #tpu.memory_space<hbm>>) dst(%arg6 : memref<1x16384xi32, #tpu.memory_space<vmem>>)
        tpu.yield
      }) : () -> ()
      %dma_wait3A = arith.constant 0 : i32
      %dma_wait3A_7 = tpu.memref_slice %arg2[%add3A, %dma_wait3A] : memref<26x100000xf32, #tpu.memory_space<hbm>> -> memref<1x100000xf32, #tpu.memory_space<hbm>>
      %dma_wait3A_8 = arith.constant 0 : i32
      %dma_wait3A_9 = tpu.memref_slice %arg2[%add3A, %dma_wait3A_8] : memref<26x100000xf32, #tpu.memory_space<hbm>> -> memref<1x100000xf32, #tpu.memory_space<hbm>>
      tpu.wait_dma2 semaphore(%arg8 : memref<!tpu.dma_semaphore, #tpu.memory_space<semaphore_mem>>) src(%dma_wait3A_9 : memref<1x100000xf32, #tpu.memory_space<hbm>>) dst(%arg5 : memref<1x100000xf32, #tpu.memory_space<vmem>>)
      %parallel_loop3A = arith.constant 0 : i32
      %parallel_loop3A_10 = arith.constant 4096 : i32
      %parallel_loop3A_11 = arith.constant 16 : i32
      scf.for %parallel_loop3A_101 = %parallel_loop3A to %parallel_loop3A_10 step %parallel_loop3A_11  : i32 {
        %parallel_loop3A_102 = arith.constant 0 : i32
        %parallel_loop3A_103 = arith.addi %parallel_loop3A_102, %parallel_loop3A_101 : i32
        %parallel_loop3A_104 = arith.constant 0 : i32
        %parallel_loop3A_105 = arith.index_cast %parallel_loop3A_104 : i32 to index
        %parallel_loop3A_106 = arith.index_cast %parallel_loop3A_103 : i32 to index
        %parallel_loop3A_107 = tpu.vector_load %arg6[%parallel_loop3A_105, %parallel_loop3A_106] {strides = array<i32>} : memref<1x16384xi32, #tpu.memory_space<vmem>>, vector<16xi32>,
        %parallel_loop3A_108 = tpu.vector_load_idx %arg5[%broadcast_in_dim3A_3, %parallel_loop3A_107] : memref<1x100000xf32, #tpu.memory_space<vmem>>[vector<16xi32>, vector<16xi32>], vector<16xf32>,
        %parallel_loop3A_109 = arith.constant 0 : i32
        %parallel_loop3A_110 = arith.index_cast %parallel_loop3A_109 : i32 to index
        %parallel_loop3A_111 = arith.index_cast %parallel_loop3A_101 : i32 to index
        %parallel_loop3A_112 = tpu.vector_load %arg7[%parallel_loop3A_110, %parallel_loop3A_111] {strides = array<i32>} : memref<2x4096xf32, #tpu.memory_space<vmem>>, vector<16xf32>,
        tpu.vector_store %arg7[%parallel_loop3A_110, %parallel_loop3A_111], %parallel_loop3A_108 {strides = array<i32>} : memref<2x4096xf32, #tpu.memory_space<vmem>>, vector<16xf32>,
      } {sc.loop_unroll_factor = 8 : i64, sc.parallel_access}
      %dma_start3A_12 = arith.constant 0 : i32
      %dma_start3A_13 = arith.constant 0 : i32
      %dma_start3A_14 = tpu.memref_slice %arg7[%dma_start3A_12, %dma_start3A_13] : memref<2x4096xf32, #tpu.memory_space<vmem>> -> memref<1x4096xf32, #tpu.memory_space<vmem>>
      %dma_start3A_15 = arith.constant 0 : i32
      %dma_start3A_16 = tpu.memref_slice %arg4[%add3A, %dma_start3A_15] : memref<26x16384xf32, #tpu.memory_space<hbm>> -> memref<1x4096xf32, #tpu.memory_space<hbm>>
      %dma_start3A_17 = arith.constant 0 : i32
      %dma_start3A_18 = tpu.memref_slice %arg4[%add3A, %dma_start3A_17] : memref<26x16384xf32, #tpu.memory_space<hbm>> -> memref<1x4096xf32, #tpu.memory_space<hbm>>
      %dma_start3A_19 = arith.constant 0 : i32
      %dma_start3A_20 = arith.constant 0 : i32
      %dma_start3A_21 = tpu.memref_slice %arg7[%dma_start3A_19, %dma_start3A_20] : memref<2x4096xf32, #tpu.memory_space<vmem>> -> memref<1x4096xf32, #tpu.memory_space<vmem>>
      tpu.enqueue_dma source(%dma_start3A_21 : memref<1x4096xf32, #tpu.memory_space<vmem>>) target(%dma_start3A_18 : memref<1x4096xf32, #tpu.memory_space<hbm>>) target_semaphore(%arg9 : memref<!tpu.dma_semaphore, #tpu.memory_space<semaphore_mem>>)
      %parallel_loop3A_22 = arith.constant 0 : i32
      %parallel_loop3A_23 = arith.constant 4096 : i32
      %parallel_loop3A_24 = arith.constant 16 : i32
      scf.for %parallel_loop3A_101 = %parallel_loop3A_22 to %parallel_loop3A_23 step %parallel_loop3A_24  : i32 {
        %parallel_loop3A_102 = arith.constant 4096 : i32
        %parallel_loop3A_103 = arith.addi %parallel_loop3A_102, %parallel_loop3A_101 : i32
        %parallel_loop3A_104 = arith.constant 0 : i32
        %parallel_loop3A_105 = arith.index_cast %parallel_loop3A_104 : i32 to index
        %parallel_loop3A_106 = arith.index_cast %parallel_loop3A_103 : i32 to index
        %parallel_loop3A_107 = tpu.vector_load %arg6[%parallel_loop3A_105, %parallel_loop3A_106] {strides = array<i32>} : memref<1x16384xi32, #tpu.memory_space<vmem>>, vector<16xi32>,
        %parallel_loop3A_108 = tpu.vector_load_idx %arg5[%broadcast_in_dim3A_3, %parallel_loop3A_107] : memref<1x100000xf32, #tpu.memory_space<vmem>>[vector<16xi32>, vector<16xi32>], vector<16xf32>,
        %parallel_loop3A_109 = arith.constant 1 : i32
        %parallel_loop3A_110 = arith.index_cast %parallel_loop3A_109 : i32 to index
        %parallel_loop3A_111 = arith.index_cast %parallel_loop3A_101 : i32 to index
        %parallel_loop3A_112 = tpu.vector_load %arg7[%parallel_loop3A_110, %parallel_loop3A_111] {strides = array<i32>} : memref<2x4096xf32, #tpu.memory_space<vmem>>, vector<16xf32>,
        tpu.vector_store %arg7[%parallel_loop3A_110, %parallel_loop3A_111], %parallel_loop3A_108 {strides = array<i32>} : memref<2x4096xf32, #tpu.memory_space<vmem>>, vector<16xf32>,
      } {sc.loop_unroll_factor = 8 : i64, sc.parallel_access}
      %dma_start3A_25 = arith.constant 1 : i32
      %dma_start3A_26 = arith.constant 0 : i32
      %dma_start3A_27 = tpu.memref_slice %arg7[%dma_start3A_25, %dma_start3A_26] : memref<2x4096xf32, #tpu.memory_space<vmem>> -> memref<1x4096xf32, #tpu.memory_space<vmem>>
      %dma_start3A_28 = arith.constant 4096 : i32
      %dma_start3A_29 = tpu.memref_slice %arg4[%add3A, %dma_start3A_28] : memref<26x16384xf32, #tpu.memory_space<hbm>> -> memref<1x4096xf32, #tpu.memory_space<hbm>>
      %dma_start3A_30 = arith.constant 4096 : i32
      %dma_start3A_31 = tpu.memref_slice %arg4[%add3A, %dma_start3A_30] : memref<26x16384xf32, #tpu.memory_space<hbm>> -> memref<1x4096xf32, #tpu.memory_space<hbm>>
      %dma_start3A_32 = arith.constant 1 : i32
      %dma_start3A_33 = arith.constant 0 : i32
      %dma_start3A_34 = tpu.memref_slice %arg7[%dma_start3A_32, %dma_start3A_33] : memref<2x4096xf32, #tpu.memory_space<vmem>> -> memref<1x4096xf32, #tpu.memory_space<vmem>>
      tpu.enqueue_dma source(%dma_start3A_34 : memref<1x4096xf32, #tpu.memory_space<vmem>>) target(%dma_start3A_31 : memref<1x4096xf32, #tpu.memory_space<hbm>>) target_semaphore(%arg9 : memref<!tpu.dma_semaphore, #tpu.memory_space<semaphore_mem>>)
      %dma_wait3A_35 = arith.constant 0 : i32
      %dma_wait3A_36 = arith.constant 0 : i32
      %dma_wait3A_37 = tpu.memref_slice %arg7[%dma_wait3A_35, %dma_wait3A_36] : memref<2x4096xf32, #tpu.memory_space<vmem>> -> memref<1x4096xf32, #tpu.memory_space<vmem>>
      %dma_wait3A_38 = arith.constant 0 : i32
      %dma_wait3A_39 = tpu.memref_slice %arg4[%add3A, %dma_wait3A_38] : memref<26x16384xf32, #tpu.memory_space<hbm>> -> memref<1x4096xf32, #tpu.memory_space<hbm>>
      %dma_wait3A_40 = arith.constant 0 : i32
      %dma_wait3A_41 = tpu.memref_slice %arg4[%add3A, %dma_wait3A_40] : memref<26x16384xf32, #tpu.memory_space<hbm>> -> memref<1x4096xf32, #tpu.memory_space<hbm>>
      %dma_wait3A_42 = arith.constant 0 : i32
      %dma_wait3A_43 = arith.constant 0 : i32
      %dma_wait3A_44 = tpu.memref_slice %arg7[%dma_wait3A_42, %dma_wait3A_43] : memref<2x4096xf32, #tpu.memory_space<vmem>> -> memref<1x4096xf32, #tpu.memory_space<vmem>>
      tpu.wait_dma2 semaphore(%arg9 : memref<!tpu.dma_semaphore, #tpu.memory_space<semaphore_mem>>) src(%dma_wait3A_44 : memref<1x4096xf32, #tpu.memory_space<vmem>>) dst(%dma_wait3A_41 : memref<1x4096xf32, #tpu.memory_space<hbm>>)
      %parallel_loop3A_45 = arith.constant 0 : i32
      %parallel_loop3A_46 = arith.constant 4096 : i32
      %parallel_loop3A_47 = arith.constant 16 : i32
      scf.for %parallel_loop3A_101 = %parallel_loop3A_45 to %parallel_loop3A_46 step %parallel_loop3A_47  : i32 {
        %parallel_loop3A_102 = arith.constant 8192 : i32
        %parallel_loop3A_103 = arith.addi %parallel_loop3A_102, %parallel_loop3A_101 : i32
        %parallel_loop3A_104 = arith.constant 0 : i32
        %parallel_loop3A_105 = arith.index_cast %parallel_loop3A_104 : i32 to index
        %parallel_loop3A_106 = arith.index_cast %parallel_loop3A_103 : i32 to index
        %parallel_loop3A_107 = tpu.vector_load %arg6[%parallel_loop3A_105, %parallel_loop3A_106] {strides = array<i32>} : memref<1x16384xi32, #tpu.memory_space<vmem>>, vector<16xi32>,
        %parallel_loop3A_108 = tpu.vector_load_idx %arg5[%broadcast_in_dim3A_3, %parallel_loop3A_107] : memref<1x100000xf32, #tpu.memory_space<vmem>>[vector<16xi32>, vector<16xi32>], vector<16xf32>,
        %parallel_loop3A_109 = arith.constant 0 : i32
        %parallel_loop3A_110 = arith.index_cast %parallel_loop3A_109 : i32 to index
        %parallel_loop3A_111 = arith.index_cast %parallel_loop3A_101 : i32 to index
        %parallel_loop3A_112 = tpu.vector_load %arg7[%parallel_loop3A_110, %parallel_loop3A_111] {strides = array<i32>} : memref<2x4096xf32, #tpu.memory_space<vmem>>, vector<16xf32>,
        tpu.vector_store %arg7[%parallel_loop3A_110, %parallel_loop3A_111], %parallel_loop3A_108 {strides = array<i32>} : memref<2x4096xf32, #tpu.memory_space<vmem>>, vector<16xf32>,
      } {sc.loop_unroll_factor = 8 : i64, sc.parallel_access}
      %dma_start3A_48 = arith.constant 0 : i32
      %dma_start3A_49 = arith.constant 0 : i32
      %dma_start3A_50 = tpu.memref_slice %arg7[%dma_start3A_48, %dma_start3A_49] : memref<2x4096xf32, #tpu.memory_space<vmem>> -> memref<1x4096xf32, #tpu.memory_space<vmem>>
      %dma_start3A_51 = arith.constant 8192 : i32
      %dma_start3A_52 = tpu.memref_slice %arg4[%add3A, %dma_start3A_51] : memref<26x16384xf32, #tpu.memory_space<hbm>> -> memref<1x4096xf32, #tpu.memory_space<hbm>>
      %dma_start3A_53 = arith.constant 8192 : i32
      %dma_start3A_54 = tpu.memref_slice %arg4[%add3A, %dma_start3A_53] : memref<26x16384xf32, #tpu.memory_space<hbm>> -> memref<1x4096xf32, #tpu.memory_space<hbm>>
      %dma_start3A_55 = arith.constant 0 : i32
      %dma_start3A_56 = arith.constant 0 : i32
      %dma_start3A_57 = tpu.memref_slice %arg7[%dma_start3A_55, %dma_start3A_56] : memref<2x4096xf32, #tpu.memory_space<vmem>> -> memref<1x4096xf32, #tpu.memory_space<vmem>>
      tpu.enqueue_dma source(%dma_start3A_57 : memref<1x4096xf32, #tpu.memory_space<vmem>>) target(%dma_start3A_54 : memref<1x4096xf32, #tpu.memory_space<hbm>>) target_semaphore(%arg9 : memref<!tpu.dma_semaphore, #tpu.memory_space<semaphore_mem>>)
      %dma_wait3A_58 = arith.constant 1 : i32
      %dma_wait3A_59 = arith.constant 0 : i32
      %dma_wait3A_60 = tpu.memref_slice %arg7[%dma_wait3A_58, %dma_wait3A_59] : memref<2x4096xf32, #tpu.memory_space<vmem>> -> memref<1x4096xf32, #tpu.memory_space<vmem>>
      %dma_wait3A_61 = arith.constant 4096 : i32
      %dma_wait3A_62 = tpu.memref_slice %arg4[%add3A, %dma_wait3A_61] : memref<26x16384xf32, #tpu.memory_space<hbm>> -> memref<1x4096xf32, #tpu.memory_space<hbm>>
      %dma_wait3A_63 = arith.constant 4096 : i32
      %dma_wait3A_64 = tpu.memref_slice %arg4[%add3A, %dma_wait3A_63] : memref<26x16384xf32, #tpu.memory_space<hbm>> -> memref<1x4096xf32, #tpu.memory_space<hbm>>
      %dma_wait3A_65 = arith.constant 1 : i32
      %dma_wait3A_66 = arith.constant 0 : i32
      %dma_wait3A_67 = tpu.memref_slice %arg7[%dma_wait3A_65, %dma_wait3A_66] : memref<2x4096xf32, #tpu.memory_space<vmem>> -> memref<1x4096xf32, #tpu.memory_space<vmem>>
      tpu.wait_dma2 semaphore(%arg9 : memref<!tpu.dma_semaphore, #tpu.memory_space<semaphore_mem>>) src(%dma_wait3A_67 : memref<1x4096xf32, #tpu.memory_space<vmem>>) dst(%dma_wait3A_64 : memref<1x4096xf32, #tpu.memory_space<hbm>>)
      %parallel_loop3A_68 = arith.constant 0 : i32
      %parallel_loop3A_69 = arith.constant 4096 : i32
      %parallel_loop3A_70 = arith.constant 16 : i32
      scf.for %parallel_loop3A_101 = %parallel_loop3A_68 to %parallel_loop3A_69 step %parallel_loop3A_70  : i32 {
        %parallel_loop3A_102 = arith.constant 12288 : i32
        %parallel_loop3A_103 = arith.addi %parallel_loop3A_102, %parallel_loop3A_101 : i32
        %parallel_loop3A_104 = arith.constant 0 : i32
        %parallel_loop3A_105 = arith.index_cast %parallel_loop3A_104 : i32 to index
        %parallel_loop3A_106 = arith.index_cast %parallel_loop3A_103 : i32 to index
        %parallel_loop3A_107 = tpu.vector_load %arg6[%parallel_loop3A_105, %parallel_loop3A_106] {strides = array<i32>} : memref<1x16384xi32, #tpu.memory_space<vmem>>, vector<16xi32>,
        %parallel_loop3A_108 = tpu.vector_load_idx %arg5[%broadcast_in_dim3A_3, %parallel_loop3A_107] : memref<1x100000xf32, #tpu.memory_space<vmem>>[vector<16xi32>, vector<16xi32>], vector<16xf32>,
        %parallel_loop3A_109 = arith.constant 1 : i32
        %parallel_loop3A_110 = arith.index_cast %parallel_loop3A_109 : i32 to index
        %parallel_loop3A_111 = arith.index_cast %parallel_loop3A_101 : i32 to index
        %parallel_loop3A_112 = tpu.vector_load %arg7[%parallel_loop3A_110, %parallel_loop3A_111] {strides = array<i32>} : memref<2x4096xf32, #tpu.memory_space<vmem>>, vector<16xf32>,
        tpu.vector_store %arg7[%parallel_loop3A_110, %parallel_loop3A_111], %parallel_loop3A_108 {strides = array<i32>} : memref<2x4096xf32, #tpu.memory_space<vmem>>, vector<16xf32>,
      } {sc.loop_unroll_factor = 8 : i64, sc.parallel_access}
      %dma_start3A_71 = arith.constant 1 : i32
      %dma_start3A_72 = arith.constant 0 : i32
      %dma_start3A_73 = tpu.memref_slice %arg7[%dma_start3A_71, %dma_start3A_72] : memref<2x4096xf32, #tpu.memory_space<vmem>> -> memref<1x4096xf32, #tpu.memory_space<vmem>>
      %dma_start3A_74 = arith.constant 12288 : i32
      %dma_start3A_75 = tpu.memref_slice %arg4[%add3A, %dma_start3A_74] : memref<26x16384xf32, #tpu.memory_space<hbm>> -> memref<1x4096xf32, #tpu.memory_space<hbm>>
      %dma_start3A_76 = arith.constant 12288 : i32
      %dma_start3A_77 = tpu.memref_slice %arg4[%add3A, %dma_start3A_76] : memref<26x16384xf32, #tpu.memory_space<hbm>> -> memref<1x4096xf32, #tpu.memory_space<hbm>>
      %dma_start3A_78 = arith.constant 1 : i32
      %dma_start3A_79 = arith.constant 0 : i32
      %dma_start3A_80 = tpu.memref_slice %arg7[%dma_start3A_78, %dma_start3A_79] : memref<2x4096xf32, #tpu.memory_space<vmem>> -> memref<1x4096xf32, #tpu.memory_space<vmem>>
      tpu.enqueue_dma source(%dma_start3A_80 : memref<1x4096xf32, #tpu.memory_space<vmem>>) target(%dma_start3A_77 : memref<1x4096xf32, #tpu.memory_space<hbm>>) target_semaphore(%arg9 : memref<!tpu.dma_semaphore, #tpu.memory_space<semaphore_mem>>)
      %dma_wait3A_81 = arith.constant 0 : i32
      %dma_wait3A_82 = arith.constant 0 : i32
      %dma_wait3A_83 = tpu.memref_slice %arg7[%dma_wait3A_81, %dma_wait3A_82] : memref<2x4096xf32, #tpu.memory_space<vmem>> -> memref<1x4096xf32, #tpu.memory_space<vmem>>
      %dma_wait3A_84 = arith.constant 8192 : i32
      %dma_wait3A_85 = tpu.memref_slice %arg4[%add3A, %dma_wait3A_84] : memref<26x16384xf32, #tpu.memory_space<hbm>> -> memref<1x4096xf32, #tpu.memory_space<hbm>>
      %dma_wait3A_86 = arith.constant 8192 : i32
      %dma_wait3A_87 = tpu.memref_slice %arg4[%add3A, %dma_wait3A_86] : memref<26x16384xf32, #tpu.memory_space<hbm>> -> memref<1x4096xf32, #tpu.memory_space<hbm>>
      %dma_wait3A_88 = arith.constant 0 : i32
      %dma_wait3A_89 = arith.constant 0 : i32
      %dma_wait3A_90 = tpu.memref_slice %arg7[%dma_wait3A_88, %dma_wait3A_89] : memref<2x4096xf32, #tpu.memory_space<vmem>> -> memref<1x4096xf32, #tpu.memory_space<vmem>>
      tpu.wait_dma2 semaphore(%arg9 : memref<!tpu.dma_semaphore, #tpu.memory_space<semaphore_mem>>) src(%dma_wait3A_90 : memref<1x4096xf32, #tpu.memory_space<vmem>>) dst(%dma_wait3A_87 : memref<1x4096xf32, #tpu.memory_space<hbm>>)
      %dma_wait3A_91 = arith.constant 1 : i32
      %dma_wait3A_92 = arith.constant 0 : i32
      %dma_wait3A_93 = tpu.memref_slice %arg7[%dma_wait3A_91, %dma_wait3A_92] : memref<2x4096xf32, #tpu.memory_space<vmem>> -> memref<1x4096xf32, #tpu.memory_space<vmem>>
      %dma_wait3A_94 = arith.constant 12288 : i32
      %dma_wait3A_95 = tpu.memref_slice %arg4[%add3A, %dma_wait3A_94] : memref<26x16384xf32, #tpu.memory_space<hbm>> -> memref<1x4096xf32, #tpu.memory_space<hbm>>
      %dma_wait3A_96 = arith.constant 12288 : i32
      %dma_wait3A_97 = tpu.memref_slice %arg4[%add3A, %dma_wait3A_96] : memref<26x16384xf32, #tpu.memory_space<hbm>> -> memref<1x4096xf32, #tpu.memory_space<hbm>>
      %dma_wait3A_98 = arith.constant 1 : i32
      %dma_wait3A_99 = arith.constant 0 : i32
      %dma_wait3A_100 = tpu.memref_slice %arg7[%dma_wait3A_98, %dma_wait3A_99] : memref<2x4096xf32, #tpu.memory_space<vmem>> -> memref<1x4096xf32, #tpu.memory_space<vmem>>
      tpu.wait_dma2 semaphore(%arg9 : memref<!tpu.dma_semaphore, #tpu.memory_space<semaphore_mem>>) src(%dma_wait3A_100 : memref<1x4096xf32, #tpu.memory_space<vmem>>) dst(%dma_wait3A_97 : memref<1x4096xf32, #tpu.memory_space<hbm>>)
    } else {
    }
    return
  }
}

module attributes {stable_mosaic.version = 14 : i64} {
  func.func @_combine_tc(%arg0: memref<26x16384xf32, #tpu.memory_space<vmem>>, %arg1: memref<13x16384xf32, #tpu.memory_space<vmem>>, %arg2: memref<13x1xf32, #tpu.memory_space<vmem>>, %arg3: memref<1x1xf32, #tpu.memory_space<vmem>>, %arg4: memref<1x16384xf32, #tpu.memory_space<vmem>>) attributes {dimension_semantics = [], scalar_prefetch = 0 : i64, scratch_operands = 0 : i64, tpu.core_type = #tpu.core_type<tc>} {
    %get3A = arith.constant 0 : index
    %get3A_0 = arith.constant 0 : index
    %get3A_1 = vector.load %arg0[%get3A, %get3A_0] : memref<26x16384xf32, #tpu.memory_space<vmem>>, vector<26x16384xf32>
    %reduce_sum3A = arith.constant dense<0.000000e+00> : vector<16384xf32>
    %reduce_sum3A_2 = vector.multi_reduction <add>, %get3A_1, %reduce_sum3A [0] : vector<26x16384xf32> to vector<16384xf32>
    %broadcast_in_dim3A = vector.shape_cast %reduce_sum3A_2 : vector<16384xf32> to vector<1x16384xf32>
    %get3A_3 = arith.constant 0 : index
    %get3A_4 = arith.constant 0 : index
    %get3A_5 = vector.load %arg1[%get3A_3, %get3A_4] : memref<13x16384xf32, #tpu.memory_space<vmem>>, vector<13x16384xf32>
    %get3A_6 = arith.constant 0 : index
    %get3A_7 = arith.constant 0 : index
    %get3A_8 = vector.load %arg2[%get3A_6, %get3A_7] : memref<13x1xf32, #tpu.memory_space<vmem>>, vector<13x1xf32>
    %mul3A = vector.broadcast %get3A_8 : vector<13x1xf32> to vector<13x16384xf32>
    %mul3A_9 = arith.mulf %get3A_5, %mul3A : vector<13x16384xf32>
    %reduce_sum3A_10 = arith.constant dense<0.000000e+00> : vector<16384xf32>
    %reduce_sum3A_11 = vector.multi_reduction <add>, %mul3A_9, %reduce_sum3A_10 [0] : vector<13x16384xf32> to vector<16384xf32>
    %broadcast_in_dim3A_12 = vector.shape_cast %reduce_sum3A_11 : vector<16384xf32> to vector<1x16384xf32>
    %add3A = arith.addf %broadcast_in_dim3A, %broadcast_in_dim3A_12 : vector<1x16384xf32>
    %get3A_13 = arith.constant 0 : index
    %get3A_14 = arith.constant 0 : index
    %get3A_15 = vector.load %arg3[%get3A_13, %get3A_14] : memref<1x1xf32, #tpu.memory_space<vmem>>, vector<1x1xf32>
    %get3A_16 = vector.extract %get3A_15[0, 0] : f32 from vector<1x1xf32>
    %add3A_17 = vector.broadcast %get3A_16 : f32 to vector<1x16384xf32>
    %add3A_18 = arith.addf %add3A, %add3A_17 : vector<1x16384xf32>
    %neg3A = arith.constant 0.000000e+00 : f32
    %neg3A_19 = vector.broadcast %neg3A : f32 to vector<1x16384xf32>
    %neg3A_20 = arith.subf %neg3A_19, %add3A_18 : vector<1x16384xf32>
    %exp3A = math.exp %neg3A_20 : vector<1x16384xf32>
    %add3A_21 = arith.constant 1.000000e+00 : f32
    %add3A_22 = vector.broadcast %add3A_21 : f32 to vector<1x16384xf32>
    %add3A_23 = arith.addf %add3A_22, %exp3A : vector<1x16384xf32>
    %div3A = arith.constant 1.000000e+00 : f32
    %div3A_24 = vector.broadcast %div3A : f32 to vector<1x16384xf32>
    %div3A_25 = arith.divf %div3A_24, %add3A_23 : vector<1x16384xf32>
    %swap3A = arith.constant 0 : index
    %swap3A_26 = arith.constant 0 : index
    %swap3A_27 = vector.load %arg4[%swap3A, %swap3A_26] : memref<1x16384xf32, #tpu.memory_space<vmem>>, vector<1x16384xf32>
    tpu.vector_store %arg4[%swap3A, %swap3A_26], %div3A_25 {strides = array<i32>} : memref<1x16384xf32, #tpu.memory_space<vmem>>, vector<1x16384xf32>,
    return
  }
}

</mosaic_0001>

<sc_bundles>
// kernel: kernel.4.cloned.1.call-start
scs
__scs_entry_jumppad:
0x0: {  	(pc) =	sbr.rel $0x88, $3  }
0x1: {  	(tag) =	ssettag $0x0;
	lr =	simm.s32 $0x1  }
0x2: {  	[smem:$0x3F9B] =	sst lr;
	_ =	strace $0xD0000000  }
0x3: {  	_ = 	snop  }
0x4: {  	_ = 	snop  }
0x5: {  	_ = 	snop  }
0x6: {  	_ = 	snop  }
0x7: {  	_ = 	snop  }
__scs_overlays_trampoline_lowered:
0x8: {  	[smem:$0x3FAA] =	sst s0  }
0x9: {  	[smem:$0x3FAB] =	sst s1  }
0xa: {  	[smem:$0x3FAC] =	sst s2  }
0xb: {  	[smem:$0x3FAD] =	sst s3  }
0xc: {  	[smem:$0x3FAE] =	sst s4  }
0xd: {  	[smem:$0x3FAF] =	sst s5  }
0xe: {  	[smem:$0x3FB0] =	sst s6  }
0xf: {  	[smem:$0x3FB1] =	sst s7  }
0x10: {  	[smem:$0x3FB2] =	sst s8  }
0x11: {  	[smem:$0x3FB3] =	sst s9;
	s0 =	simm.s32 @!p0 $0x0  }
0x12: {  	s1 =	sld [smem:$0x3F99];
	s0 =	simm.s32 @p0 $0x1  }
0x13: {  	[smem:$0x3FB4] =	sst s0;
	s0 =	simm.s32 @!p1 $0x0  }
0x14: {  	s2 =	sld [smem:$0x3F98];
	s0 =	simm.s32 @p1 $0x1  }
0x15: {  	[smem:$0x3FB5] =	sst s0;
	s0 =	simm.s32 @!p2 $0x0  }
0x16: {  	s3 =	sld [smem:$0x3FDB];
	s0 =	simm.s32 @p2 $0x1  }
0x17: {  	s4 =	simm.s32 $0x1BF5;
	[smem:$0x3FB7] =	sst s0  }
0x18: {  	s0 =	sld [smem:$0x3F9A];
	_ =	swait.ge [sflag:s4], $0x0  }
0x19: {  	s7 =	sld [smem:$0x3F9B]  }
0x1a: {  	s8 =	sadd.s32 $0xFFFFE003, lr  }
0x1b: {  	s9 =	sadd.s32 $0xFFFFFEF7, lr;
	s5 =	simm.s32 $0xFFFFFFFF;
	p2 =	slt.u32 s8, $0xFFFFF086  }
0x1c: {  	p1 =	slt.u32 s9, $0xF7A;
	s5 =	simm.s32 @!p2 $0x0  }
0x1d: {  	s5 =	simm.s32 @p1 $0x1;
	p0 =	seq.s32 s7, s2  }
0x1e: {  	s7 =	smul.u32 @!p0 $0xF7A, s2;
	p2 =	seq.s32 @!p0 s5, $0x0  }
0x1f: {  	s9 =	smul.u32 $0xF7A, s1;
	s8 =	simm.s32 @!p0 $0x1BF5;
	p2 =	por !p2, p0  }
0x20: {  	[sflag:s8] =	ssyncset.s32 @!p0 $0xFFFFF086;
	s6 =	sadd.s32 @!p0 s3, s7;
	s7 =	simm.s32 @!p0 $0x108  }
0x21: {  	s3 =	sadd.s32 s3, s9;
	s6 =	sadd.s32 @!p0 $0x88, s6;
	s7 =	simm.s32 @p2 $0x1082  }
0x22: {  	[simem:s7], [sflag:s8] =	dma.local @!p0 [hbm:s6], $0xF7A  }
0x23: {  	s9 =	sor.u32 $0xD0000000, s2;
	s6 =	simm.s32 $0x108;
	_ =	swait.ge @!p0 [sflag:s8], $0x0  }
0x24: {  	s3 =	sadd.s32 $0x88, s3;
	s6 =	simm.s32 @!p1 $0x1082;
	[sflag:s4] =	ssyncset.s32 $0xFFFFF086  }
0x25: {  	[simem:s6], [sflag:s4] =	dma.local [hbm:s3], $0xF7A  }
0x26: {  	[smem:$0x3F9B] =	sst s1;
	(tag) =	ssettag s2;
	_ =	strace s9  }
0x27: {  	s1 =	sld [smem:$0x3FAB]  }
0x28: {  	s2 =	sld [smem:$0x3FAC]  }
0x29: {  	s4 =	sld [smem:$0x3FAE]  }
0x2a: {  	p0 =	seq.s32 s5, $0x0;
	s5 =	sld [smem:$0x3FAF]  }
0x2b: {  	s6 =	sld [smem:$0x3FB0]  }
0x2c: {  	s7 =	sld [smem:$0x3FB1]  }
0x2d: {  	s3 =	simm.s32 $0x108;
	s8 =	sld [smem:$0x3FB2]  }
0x2e: {  	s3 =	simm.s32 @!p0 $0x1082;
	s9 =	sld [smem:$0x3FB3]  }
0x2f: {  	lr =	sadd.s32 s0, s3;
	s0 =	sld [smem:$0x3FAA]  }
0x30: {  	s3 =	sld [smem:$0x3FAD]  }
0x31: {  	[smem:$0x3FB6] =	sst s10  }
0x32: {  	s10 =	sld [smem:$0x3FB4];
	_ =	sdelay $0x3  }
0x33: {  	p0 =	seq.s32 s10, $0x1;
	s10 =	sld [smem:$0x3FB6];
	_ =	sdelay $0x3  }
0x34: {  	[smem:$0x3FB6] =	sst s10  }
0x35: {  	s10 =	sld [smem:$0x3FB5];
	_ =	sdelay $0x3  }
0x36: {  	p1 =	seq.s32 s10, $0x1;
	s10 =	sld [smem:$0x3FB6];
	_ =	sdelay $0x3  }
0x37: {  	[smem:$0x3FB6] =	sst s10  }
0x38: {  	s10 =	sld [smem:$0x3FB7]  }
0x39: {  	_ = 	snop;
	(pc) =	sbr.ind lr, $3  }
0x3a: {  	_ = 	snop  }
0x3b: {  	_ = 	snop  }
0x3c: {  	p2 =	seq.s32 s10, $0x1;
	s10 =	sld [smem:$0x3FB6]  }
0x3d: {  	_ =	shalt  }
0x3e: {  	_ =	shalt  }
0x3f: {  	_ =	shalt  }
0x40: {  	_ =	shalt  }
0x41: {  	_ =	shalt  }
0x42: {  	_ =	shalt  }
0x43: {  	_ =	shalt  }
0x44: {  	_ =	shalt  }
0x45: {  	_ =	shalt  }
0x46: {  	_ =	shalt  }
0x47: {  	_ =	shalt  }
0x48: {  	_ =	shalt  }
0x49: {  	_ =	shalt  }
0x4a: {  	_ =	shalt  }
0x4b: {  	_ =	shalt  }
0x4c: {  	_ =	shalt  }
0x4d: {  	_ =	shalt  }
0x4e: {  	_ =	shalt  }
0x4f: {  	_ =	shalt  }
0x50: {  	_ =	shalt  }
0x51: {  	_ =	shalt  }
0x52: {  	_ =	shalt  }
0x53: {  	_ =	shalt  }
0x54: {  	_ =	shalt  }
0x55: {  	_ =	shalt  }
0x56: {  	_ =	shalt  }
0x57: {  	_ =	shalt  }
0x58: {  	_ =	shalt  }
0x59: {  	_ =	shalt  }
0x5a: {  	_ =	shalt  }
0x5b: {  	_ =	shalt  }
0x5c: {  	_ =	shalt  }
0x5d: {  	_ =	shalt  }
0x5e: {  	_ =	shalt  }
0x5f: {  	_ =	shalt  }
0x60: {  	_ =	shalt  }
0x61: {  	_ =	shalt  }
0x62: {  	_ =	shalt  }
0x63: {  	_ =	shalt  }
0x64: {  	_ =	shalt  }
0x65: {  	_ =	shalt  }
0x66: {  	_ =	shalt  }
0x67: {  	_ =	shalt  }
0x68: {  	_ =	shalt  }
0x69: {  	_ =	shalt  }
0x6a: {  	_ =	shalt  }
0x6b: {  	_ =	shalt  }
0x6c: {  	_ =	shalt  }
0x6d: {  	_ =	shalt  }
0x6e: {  	_ =	shalt  }
0x6f: {  	_ =	shalt  }
0x70: {  	_ =	shalt  }
0x71: {  	_ =	shalt  }
0x72: {  	_ =	shalt  }
0x73: {  	_ =	shalt  }
0x74: {  	_ =	shalt  }
0x75: {  	_ =	shalt  }
0x76: {  	_ =	shalt  }
0x77: {  	_ =	shalt  }
0x78: {  	_ =	shalt  }
0x79: {  	_ =	shalt  }
0x7a: {  	_ =	shalt  }
0x7b: {  	_ =	shalt  }
0x7c: {  	_ =	shalt  }
0x7d: {  	_ =	shalt  }
0x7e: {  	_ =	shalt  }
0x7f: {  	_ =	shalt  }
0x80: {  	_ =	shalt  }
0x81: {  	_ =	shalt  }
0x82: {  	_ =	shalt  }
0x83: {  	_ =	shalt  }
0x84: {  	_ =	shalt  }
0x85: {  	_ =	shalt  }
0x86: {  	_ =	shalt  }
0x87: {  	_ =	shalt  }
.Lfunc_end0:
.L_simem_size_0:
called_computation_lowered:
.L_overlay_start_0:
0x88: {  	s2 =	sld [smem:$0x3FD9]  }
0x89: {  	s3 =	sld [smem:$0x3FFE];
	_ =	sdelay $0x1  }
0x8a: {  	s1 =	srdreg.scid  }
0x8b: {  	s0 =	sand.u32 $0x1, s1  }
0x8c: {  	s17 =	sshll.u32 s0, $0xA;
	s2 =	sadd.s32 s3, s2  }
0x8d: {  	s2 =	sadd.s32 s2, s17  }
0x8e: {  	[smem:$0x3FC2] =	sst s2  }
0x8f: {  	_ = 	snop  }
0x90: {  	s2 =	sld [smem:$0x3FC9]  }
0x91: {  	s18 =	sld [smem:$0x3FC7];
	(tm) =	ssettm $0x1  }
0x92: {  	s4 =	sld [smem:$0x3FFB];
	_ =	sdelay $0x3  }
0x93: {  	_ =	strace s4  }
0x94: {  	s4 =	sld [smem:$0x3FFC];
	_ =	sdelay $0x3  }
0x95: {  	_ =	strace s4  }
0x96: {  	s4 =	sld [smem:$0x3FFD];
	_ =	sdelay $0x3  }
0x97: {  	_ =	strace s4  }
0x98: {  	_ =	strace $0x8FFFFFFF  }
0x99: {  	s19 =	sld [smem:$0x3FDB];
	_ =	sdelay $0x1  }
0x9a: {  	s5 =	simm.s32 $_scs_section_size  }
0x9b: {  	s6 =	simm.s32 $_size__tile_overlayer_lowered;
	s7 =	simm.s32 $_tile_overlayer_lowered  }
0x9c: {  	s22 =	simm.s32 $0x1BFF;
	s21 =	sshll.u32 s7, $0x1;
	s4 =	sadd.s32 s5, s19  }
0x9d: {  	s8 =	simm.s32 $0x0;
	s20 =	sshll.u32 s6, $0x1;
	s6 =	sadd.s32 s21, s4  }
0x9e: {  	[timem:s8], [sflag:s22] =	dma.local [hbm:s6], s20  }
0x9f: {  	_ =	swait.ge [sflag:s22], s20  }
0xa0: {  	s5 =	ssub.s32 $0x0, s20;
	[sflag:s22] =	ssyncset.done $0x0  }
0xa1: {  	[sflag:s22] =	ssyncadd.s32 s5;
	_ =	sdelay $0x1  }
0xa2: {  	s23 =	simm.s32 $0x1B8B  }
0xa3: {  	_ =	swait.ge [sflag:s23], $0x1  }
0xa4: {  	[sflag:s23] =	ssyncset.done $0x0  }
0xa5: {  	s25 =	simm.s32 $0x1B8E;
	s24 =	sld [smem:$0x3FFE];
	[sflag:s23] =	ssyncadd.s32 $0xFFFFFFFF  }
0xa6: {  	s26 =	simm.s32 $execute0_lowered;
	[smem:$0x3FD2] =	sst s25  }
0xa7: {  	s6 =	sshll.u32 s26, $0x1;
	_ =	strace $0x80000046;
	[dreg:$0x1] =	wrdreg $0xFFFFFFFF  }
0xa8: {  	s28 =	simm.s32 $_size_execute0_lowered;
	s4 =	sadd.s32 s4, s6;
	[dreg:$0x0] =	wrdreg $0x0  }
0xa9: {  	s6 =	sshll.u32 s28, $0x1;
	[dreg:$0x2] =	wrdreg s4  }
0xaa: {  	[dreg:$0x3] =	wrdreg s6  }
0xab: {  	[dreg:$0x4] =	wrdreg $0xC0  }
0xac: {  	_ =	task [dreg:s8], $0x5FFFF  }
0xad: {  	[dreg:$0x1] =	wrdreg $0xFFFFFFFF  }
0xae: {  	[dreg:$0x0] =	wrdreg $0x60  }
0xaf: {  	[dreg:$0x2] =	wrdreg s18  }
0xb0: {  	[dreg:$0x3] =	wrdreg s2  }
0xb1: {  	[dreg:$0x4] =	wrdreg s24  }
0xb2: {  	[dreg:$0x5] =	wrdreg $0x9  }
0xb3: {  	_ =	task.clear_ibuf [dreg:s8], $0x6FFFF;
	_ =	strace $0x90000046  }
0xb4: {  	s29 =	simm.s32 $0x9;
	_ =	strace $0x80000048  }
0xb5: {  	_ =	swait.ge [sflag:s29], $0x1  }
0xb6: {  	[sflag:s29] =	ssyncadd.s32 $0xFFFFFFFF  }
0xb7: {  	_ =	strace $0x90000048  }
0xb8: {  	_ =	sfence  }
0xb9: {  	s30 =	sld [smem:$0x0];
	_ =	sdelay $0x2  }
0xba: {  	s31 =	sshll.u32 s1, $0xD;
	s1 =	sshrl.u32 s1, $0x2  }
0xbb: {  	s3 =	sand.u32 $0x4000, s31;
	s1 =	sadd.s32 s1, s30  }
0xbc: {  	s0 =	sor.u32 s3, s0;
	s1 =	sshll.u32 s1, $0x11  }
0xbd: {  	s0 =	sor.u32 s1, s0  }
0xbe: {  	s0 =	sadd.s32 $0x8F2B, s0  }
0xbf: {  	[sflag:s0] =	ssyncadd.remote.s32 $0x1  }
0xc0: {  	_ =	sfence.sel $0xFFFF  }
0xc1: {  	[dreg:$0x0] =	wrdreg $0xFFFFFFFF;
	(pc) =	sbr.abs _section_cstart, $3  }
0xc2: {  	[dreg:$0x1] =	wrdreg $0xFFFFFFFF  }
0xc3: {  	_ =	task.clear_ibuf [dreg:s8], $0x2FFFF;
	_ =	strace $0x9FFFFFFF  }
0xc4: {  	(tm) =	ssettm $0x7FFFFFFF  }
0xc5: {  	_ =	shalt  }
tec
execute0_lowered:
.L_overlay_start_1:
0x0: {  	(tag) =	ssettag $0x1  }
0x1: {  	s1 =	stileid.u32  }
0x2: {  	p0 =	sgt.u32 s1, $0xC  }
.Ltmp0:
0x3: {  	s8 =	rddreg [dreg:$0x0];
	(pc) =	sbr.rel @p0 .LBB2_19-.Ltmp0, $4  }
0x4: {  	s7 =	rddreg [dreg:$0x1]  }
0x5: {  	s3 =	rddreg [dreg:$0x2];
	s2 =	simm.s32 $0x0  }
0x6: {  	[smem:$0x7FF] =	sst s2  }
0x7: {  	s0 =	rddreg [dreg:$0x3];
	_ =	strace $0x80000047  }
0x8: {  	s4 =	srdreg.scid  }
0x9: {  	s6 =	sand.u32 $0x1, s4  }
0xa: {  	s4 =	smul.u32 $0xD, s6;
	_ =	sdelay $0x1  }
0xb: {  	s4 =	sadd.s32 s1, s4  }
0xc: {  	s14 =	simm.s32 $0x1;
	s5 =	sshll.u32 s4, $0x7;
	s4 =	sshrl.u32 s4, $0x3  }
0xd: {  	s15 =	simm.s32 $0x2;
	s9 =	sand.u32 $0x380, s5;
	s30 =	sshll.u32 s4, $0x11  }
0xe: {  	s13 =	ssub.s32 $0x2, s6;
	s12 =	smul.u32 $0xC3800, s4;
	s5 =	sor.u32 s9, s30  }
0xf: {  	s16 =	simm.s32 $0x0;
	s31 =	sshrl.u32 s13, $0x1;
	s10 =	sshrl.u32 s5, $0x3  }
0x10: {  	s9 =	sor.u32 s9, s12;
	s12 =	simm.s32 $0x18700;
	s11 =	sadd.s32 s10, s3  }
0x11: {  	s7 =	sadd.s32 s7, s10;
	s9 =	sshrl.u32 s9, $0x3;
	s10 =	simm.s32 $0x80  }
0x12: {  	s3 =	sadd.s32 $0xA00, s11;
	s4 =	sadd.s32 $0x1A00, s11;
	s5 =	sadd.s32 $0x2A00, s11  }
0x13: {  	s6 =	sadd.s32 $0x3A00, s11;
	s11 =	ssub.s32 s13, s31;
	s8 =	sadd.s32 s8, s9  }
0x14: {  	s13 =	simm.s32 $0x3;
	s9 =	smax.u32 s11, $0x1;
	s11 =	simm.s32 $0x400  }
.LBB2_2:
0x15: {  	[tilespmem:s2], [sflag:$0x1] =	stream.strided.gather [hbm4b:s8+s10], $0x18700, s11, s10, $0x38;
	[tilespmem:$0x1E700] =	vst v63  }
0x16: {  	_ = 	snop  }
0x17: {  	[tilespmem:s12], [sflag:$0x3] =	stream.strided.gather [hbm4b:s7+s10], $0x4000, s11, s10, $0x38;
	[tilespmem:$0x1E700] =	vst v63  }
0x18: {  	_ =	swait.ge [sflag:s13], $0x4000  }
0x19: {  	[sflag:s13] =	ssyncset.done $0x0  }
0x1a: {  	[sflag:s13] =	ssyncadd.s32 $0xFFFFC000  }
0x1b: {  	_ =	swait.ge [sflag:s14], $0x18700  }
0x1c: {  	[sflag:s14] =	ssyncset.done $0x0  }
0x1d: {  	s17 =	simm.s32 $0x18740;
	[sflag:s14] =	ssyncadd.s32 $0xFFFE7900  }
0x1e: {  	v0 =	vld [tilespmem:s17+$0x30]  }
0x1f: {  	v1 =	vld [tilespmem:s17+$0xFFFFFFD0]  }
0x20: {  	v2 =	vld [tilespmem:s17+$0xFFFFFFE0]  }
0x21: {  	v3 =	vld [tilespmem:s17+$0xFFFFFFF0]  }
0x22: {  	v4 =	vld [tilespmem:s17+$0x0]  }
0x23: {  	v6 =	vld [tilespmem:s17+$0x10]  }
0x24: {  	v7 =	vld [tilespmem:s17+$0x20]  }
0x25: {  	v8 =	vld [tilespmem:s17+$0xFFFFFFC0]  }
0x26: {  	v9 =	vld.idx.msk [tilespmem:v0+s2+$0x0], $0xffff  }
0x27: {  	v10 =	vld.idx.msk [tilespmem:v1+s2+$0x0], $0xffff  }
0x28: {  	v5 =	vld.idx.msk [tilespmem:v2+s2+$0x0], $0xffff  }
0x29: {  	v3 =	vld.idx.msk [tilespmem:v3+s2+$0x0], $0xffff  }
0x2a: {  	v0 =	vld.idx.msk [tilespmem:v4+s2+$0x0], $0xffff  }
0x2b: {  	s17 =	simm.s32 $0x1C740;
	v1 =	vld.idx.msk [tilespmem:v6+s2+$0x0], $0xffff  }
0x2c: {  	v2 =	vld.idx.msk [tilespmem:v7+s2+$0x0], $0xffff;
	[tilespmem:s17+$0x30] =	vst v9  }
0x2d: {  	s18 =	simm.s32 $0x0;
	s19 =	simm.s32 $0x187C0;
	v4 =	vld.idx.msk [tilespmem:v8+s2+$0x0], $0xffff;
	[tilespmem:s17+$0xFFFFFFD0] =	vst v10  }
.LBB2_3:
0x2e: {  	v6 =	vld [tilespmem:s19+$0x30];
	s18 =	sadd.s32 $0x80, s18;
	[tilespmem:s17+$0xFFFFFFE0] =	vst v5  }
0x2f: {  	v5 =	vld [tilespmem:s19+$0xFFFFFFD0];
	p0 =	slt.u32 s18, $0xF80;
	[tilespmem:s17+$0xFFFFFFF0] =	vst v3  }
0x30: {  	v3 =	vld [tilespmem:s19+$0xFFFFFFE0];
	[tilespmem:s17+$0x0] =	vst v0  }
0x31: {  	v0 =	vld [tilespmem:s19+$0xFFFFFFF0];
	[tilespmem:s17+$0x10] =	vst v1  }
0x32: {  	v1 =	vld [tilespmem:s19+$0x0];
	[tilespmem:s17+$0x20] =	vst v2  }
0x33: {  	v2 =	vld [tilespmem:s19+$0x10];
	[tilespmem:s17+$0xFFFFFFC0] =	vst v4  }
0x34: {  	v4 =	vld [tilespmem:s19+$0x20]  }
0x35: {  	v7 =	vld [tilespmem:s19+$0xFFFFFFC0]  }
0x36: {  	v6 =	vld.idx.msk [tilespmem:v6+s2+$0x0], $0xffff  }
0x37: {  	v8 =	vld.idx.msk [tilespmem:v5+s2+$0x0], $0xffff  }
0x38: {  	v5 =	vld.idx.msk [tilespmem:v3+s2+$0x0], $0xffff  }
.Ltmp1:
0x39: {  	v3 =	vld.idx.msk [tilespmem:v0+s2+$0x0], $0xffff;
	(pc) =	sbr.rel @p0 .LBB2_3-.Ltmp1, $4  }
0x3a: {  	v0 =	vld.idx.msk [tilespmem:v1+s2+$0x0], $0xffff  }
0x3b: {  	s17 =	sadd.s32 $0x100, s17;
	v1 =	vld.idx.msk [tilespmem:v2+s2+$0x0], $0xffff  }
0x3c: {  	v2 =	vld.idx.msk [tilespmem:v4+s2+$0x0], $0xffff;
	[tilespmem:s17+$0x30] =	vst v6  }
0x3d: {  	s19 =	sadd.s32 $0x80, s19;
	v4 =	vld.idx.msk [tilespmem:v7+s2+$0x0], $0xffff;
	[tilespmem:s17+$0xFFFFFFD0] =	vst v8  }
0x3e: {  	[tilespmem:s17+$0xFFFFFFE0] =	vst v5  }
0x3f: {  	[tilespmem:s17+$0xFFFFFFF0] =	vst v3  }
0x40: {  	[tilespmem:s17+$0x0] =	vst v0  }
0x41: {  	[tilespmem:s17+$0x10] =	vst v1  }
0x42: {  	[tilespmem:s17+$0x20] =	vst v2  }
0x43: {  	s18 =	simm.s32 $0x1C700;
	[tilespmem:s17+$0xFFFFFFC0] =	vst v4;
	s17 =	simm.s32 $0x0  }
.LBB2_5:
0x44: {  	p0 =	sne.s32 s17, $0xF80  }
.Ltmp2:
0x45: {  	_ = 	snop;
	(pc) =	sbr.rel @p0 .LBB2_5-.Ltmp2, $4  }
0x46: {  	_ = 	snop  }
0x47: {  	s19 =	sadd.s32 s17, s3  }
0x48: {  	[hbm4b:s19+s2] =	stream.linear.scatter [tilespmem:s18], [sflag:$0x2], $0x80, $0x38;
	[tilespmem:$0x1E700] =	vst v63  }
0x49: {  	s17 =	sadd.s32 $0x80, s17;
	s18 =	sadd.s32 $0x100, s18  }
0x4a: {  	s17 =	simm.s32 $0x19770  }
0x4b: {  	v0 =	vld [tilespmem:s17+$0x0]  }
0x4c: {  	v1 =	vld [tilespmem:s17+$0xFFFFFFA0]  }
0x4d: {  	v2 =	vld [tilespmem:s17+$0xFFFFFFB0]  }
0x4e: {  	v3 =	vld [tilespmem:s17+$0xFFFFFFC0]  }
0x4f: {  	v4 =	vld [tilespmem:s17+$0xFFFFFFD0]  }
0x50: {  	v6 =	vld [tilespmem:s17+$0xFFFFFFE0]  }
0x51: {  	v7 =	vld [tilespmem:s17+$0xFFFFFFF0]  }
0x52: {  	v8 =	vld [tilespmem:s17+$0xFFFFFF90]  }
0x53: {  	v9 =	vld.idx.msk [tilespmem:v0+s2+$0x0], $0xffff  }
0x54: {  	v10 =	vld.idx.msk [tilespmem:v1+s2+$0x0], $0xffff  }
0x55: {  	v5 =	vld.idx.msk [tilespmem:v2+s2+$0x0], $0xffff  }
0x56: {  	v3 =	vld.idx.msk [tilespmem:v3+s2+$0x0], $0xffff  }
0x57: {  	v0 =	vld.idx.msk [tilespmem:v4+s2+$0x0], $0xffff  }
0x58: {  	s17 =	simm.s32 $0x1C7F0;
	v1 =	vld.idx.msk [tilespmem:v6+s2+$0x0], $0xffff  }
0x59: {  	v2 =	vld.idx.msk [tilespmem:v7+s2+$0x0], $0xffff;
	[tilespmem:s17+$0x0] =	vst v9  }
0x5a: {  	s18 =	simm.s32 $0x0;
	s19 =	simm.s32 $0x197F0;
	v4 =	vld.idx.msk [tilespmem:v8+s2+$0x0], $0xffff;
	[tilespmem:s17+$0xFFFFFFA0] =	vst v10  }
.LBB2_7:
0x5b: {  	v6 =	vld [tilespmem:s19+$0x0];
	s18 =	sadd.s32 $0x80, s18;
	[tilespmem:s17+$0xFFFFFFB0] =	vst v5  }
0x5c: {  	v5 =	vld [tilespmem:s19+$0xFFFFFFA0];
	p0 =	slt.u32 s18, $0xF80;
	[tilespmem:s17+$0xFFFFFFC0] =	vst v3  }
0x5d: {  	v3 =	vld [tilespmem:s19+$0xFFFFFFB0];
	[tilespmem:s17+$0xFFFFFFD0] =	vst v0  }
0x5e: {  	v0 =	vld [tilespmem:s19+$0xFFFFFFC0];
	[tilespmem:s17+$0xFFFFFFE0] =	vst v1  }
0x5f: {  	v1 =	vld [tilespmem:s19+$0xFFFFFFD0];
	[tilespmem:s17+$0xFFFFFFF0] =	vst v2  }
0x60: {  	v2 =	vld [tilespmem:s19+$0xFFFFFFE0];
	[tilespmem:s17+$0xFFFFFF90] =	vst v4  }
0x61: {  	v4 =	vld [tilespmem:s19+$0xFFFFFFF0]  }
0x62: {  	v7 =	vld [tilespmem:s19+$0xFFFFFF90]  }
0x63: {  	v6 =	vld.idx.msk [tilespmem:v6+s2+$0x0], $0xffff  }
0x64: {  	v8 =	vld.idx.msk [tilespmem:v5+s2+$0x0], $0xffff  }
0x65: {  	v5 =	vld.idx.msk [tilespmem:v3+s2+$0x0], $0xffff  }
.Ltmp3:
0x66: {  	v3 =	vld.idx.msk [tilespmem:v0+s2+$0x0], $0xffff;
	(pc) =	sbr.rel @p0 .LBB2_7-.Ltmp3, $4  }
0x67: {  	v0 =	vld.idx.msk [tilespmem:v1+s2+$0x0], $0xffff  }
0x68: {  	s17 =	sadd.s32 $0x100, s17;
	v1 =	vld.idx.msk [tilespmem:v2+s2+$0x0], $0xffff  }
0x69: {  	v2 =	vld.idx.msk [tilespmem:v4+s2+$0x0], $0xffff;
	[tilespmem:s17+$0x0] =	vst v6  }
0x6a: {  	s19 =	sadd.s32 $0x80, s19;
	v4 =	vld.idx.msk [tilespmem:v7+s2+$0x0], $0xffff;
	[tilespmem:s17+$0xFFFFFFA0] =	vst v8  }
0x6b: {  	[tilespmem:s17+$0xFFFFFFB0] =	vst v5  }
0x6c: {  	[tilespmem:s17+$0xFFFFFFC0] =	vst v3  }
0x6d: {  	[tilespmem:s17+$0xFFFFFFD0] =	vst v0  }
0x6e: {  	[tilespmem:s17+$0xFFFFFFE0] =	vst v1  }
0x6f: {  	s18 =	simm.s32 $0x1C780;
	[tilespmem:s17+$0xFFFFFFF0] =	vst v2  }
0x70: {  	s20 =	sadd.s32 $0x0, s4;
	s19 =	simm.s32 $0x1C880;
	[tilespmem:s17+$0xFFFFFF90] =	vst v4;
	s17 =	simm.s32 $0x80  }
.LBB2_9:
0x71: {  	[hbm4b:s20+s2] =	stream.linear.scatter [tilespmem:s18], [sflag:$0x2], $0x80, $0x38;
	[tilespmem:$0x1E700] =	vst v63  }
0x72: {  	s20 =	smov.u32 s17;
	s18 =	smov.u32 s19;
	p0 =	sne.s32 s17, $0xF80  }
.Ltmp4:
0x73: {  	s17 =	sadd.s32 $0x80, s17;
	(pc) =	sbr.rel @p0 .LBB2_9-.Ltmp4, $2  }
0x74: {  	_ =	sdelay $0x2  }
0x75: {  	s19 =	sadd.s32 $0x100, s19;
	s20 =	sadd.s32 s20, s4  }
0x76: {  	[hbm4b:s20+s2] =	stream.linear.scatter [tilespmem:s18], [sflag:$0x2], $0x80, $0x38;
	[tilespmem:$0x1E700] =	vst v63  }
0x77: {  	_ =	swait.ge [sflag:s15], $0x1000  }
0x78: {  	[sflag:s15] =	ssyncset.done $0x0  }
0x79: {  	s17 =	simm.s32 $0x1A770;
	[sflag:s15] =	ssyncadd.s32 $0xFFFFF000  }
0x7a: {  	v0 =	vld [tilespmem:s17+$0x0]  }
0x7b: {  	v1 =	vld [tilespmem:s17+$0xFFFFFFA0]  }
0x7c: {  	v2 =	vld [tilespmem:s17+$0xFFFFFFB0]  }
0x7d: {  	v3 =	vld [tilespmem:s17+$0xFFFFFFC0]  }
0x7e: {  	v4 =	vld [tilespmem:s17+$0xFFFFFFD0]  }
0x7f: {  	v6 =	vld [tilespmem:s17+$0xFFFFFFE0]  }
0x80: {  	v7 =	vld [tilespmem:s17+$0xFFFFFFF0]  }
0x81: {  	v8 =	vld [tilespmem:s17+$0xFFFFFF90]  }
0x82: {  	v9 =	vld.idx.msk [tilespmem:v0+s2+$0x0], $0xffff  }
0x83: {  	v10 =	vld.idx.msk [tilespmem:v1+s2+$0x0], $0xffff  }
0x84: {  	v5 =	vld.idx.msk [tilespmem:v2+s2+$0x0], $0xffff  }
0x85: {  	v3 =	vld.idx.msk [tilespmem:v3+s2+$0x0], $0xffff  }
0x86: {  	v0 =	vld.idx.msk [tilespmem:v4+s2+$0x0], $0xffff  }
0x87: {  	s17 =	simm.s32 $0x1C740;
	v1 =	vld.idx.msk [tilespmem:v6+s2+$0x0], $0xffff  }
0x88: {  	v2 =	vld.idx.msk [tilespmem:v7+s2+$0x0], $0xffff;
	[tilespmem:s17+$0x30] =	vst v9  }
0x89: {  	s18 =	simm.s32 $0x0;
	s19 =	simm.s32 $0x1A7F0;
	v4 =	vld.idx.msk [tilespmem:v8+s2+$0x0], $0xffff;
	[tilespmem:s17+$0xFFFFFFD0] =	vst v10  }
.LBB2_11:
0x8a: {  	v6 =	vld [tilespmem:s19+$0x0];
	s18 =	sadd.s32 $0x80, s18;
	[tilespmem:s17+$0xFFFFFFE0] =	vst v5  }
0x8b: {  	v5 =	vld [tilespmem:s19+$0xFFFFFFA0];
	p0 =	slt.u32 s18, $0xF80;
	[tilespmem:s17+$0xFFFFFFF0] =	vst v3  }
0x8c: {  	v3 =	vld [tilespmem:s19+$0xFFFFFFB0];
	[tilespmem:s17+$0x0] =	vst v0  }
0x8d: {  	v0 =	vld [tilespmem:s19+$0xFFFFFFC0];
	[tilespmem:s17+$0x10] =	vst v1  }
0x8e: {  	v1 =	vld [tilespmem:s19+$0xFFFFFFD0];
	[tilespmem:s17+$0x20] =	vst v2  }
0x8f: {  	v2 =	vld [tilespmem:s19+$0xFFFFFFE0];
	[tilespmem:s17+$0xFFFFFFC0] =	vst v4  }
0x90: {  	v4 =	vld [tilespmem:s19+$0xFFFFFFF0]  }
0x91: {  	v7 =	vld [tilespmem:s19+$0xFFFFFF90]  }
0x92: {  	v6 =	vld.idx.msk [tilespmem:v6+s2+$0x0], $0xffff  }
0x93: {  	v8 =	vld.idx.msk [tilespmem:v5+s2+$0x0], $0xffff  }
0x94: {  	v5 =	vld.idx.msk [tilespmem:v3+s2+$0x0], $0xffff  }
.Ltmp5:
0x95: {  	v3 =	vld.idx.msk [tilespmem:v0+s2+$0x0], $0xffff;
	(pc) =	sbr.rel @p0 .LBB2_11-.Ltmp5, $4  }
0x96: {  	v0 =	vld.idx.msk [tilespmem:v1+s2+$0x0], $0xffff  }
0x97: {  	s17 =	sadd.s32 $0x100, s17;
	v1 =	vld.idx.msk [tilespmem:v2+s2+$0x0], $0xffff  }
0x98: {  	v2 =	vld.idx.msk [tilespmem:v4+s2+$0x0], $0xffff;
	[tilespmem:s17+$0x30] =	vst v6  }
0x99: {  	s19 =	sadd.s32 $0x80, s19;
	v4 =	vld.idx.msk [tilespmem:v7+s2+$0x0], $0xffff;
	[tilespmem:s17+$0xFFFFFFD0] =	vst v8  }
0x9a: {  	[tilespmem:s17+$0xFFFFFFE0] =	vst v5  }
0x9b: {  	[tilespmem:s17+$0xFFFFFFF0] =	vst v3  }
0x9c: {  	[tilespmem:s17+$0x0] =	vst v0  }
0x9d: {  	[tilespmem:s17+$0x10] =	vst v1  }
0x9e: {  	s18 =	simm.s32 $0x1C700;
	[tilespmem:s17+$0x20] =	vst v2  }
0x9f: {  	s20 =	sadd.s32 $0x0, s5;
	s19 =	simm.s32 $0x1C800;
	[tilespmem:s17+$0xFFFFFFC0] =	vst v4;
	s17 =	simm.s32 $0x80  }
.LBB2_13:
0xa0: {  	[hbm4b:s20+s2] =	stream.linear.scatter [tilespmem:s18], [sflag:$0x2], $0x80, $0x38;
	[tilespmem:$0x1E700] =	vst v63  }
0xa1: {  	s20 =	smov.u32 s17;
	s18 =	smov.u32 s19;
	p0 =	sne.s32 s17, $0xF80  }
.Ltmp6:
0xa2: {  	s17 =	sadd.s32 $0x80, s17;
	(pc) =	sbr.rel @p0 .LBB2_13-.Ltmp6, $2  }
0xa3: {  	_ =	sdelay $0x2  }
0xa4: {  	s19 =	sadd.s32 $0x100, s19;
	s20 =	sadd.s32 s20, s5  }
0xa5: {  	[hbm4b:s20+s2] =	stream.linear.scatter [tilespmem:s18], [sflag:$0x2], $0x80, $0x38;
	[tilespmem:$0x1E700] =	vst v63  }
0xa6: {  	_ =	swait.ge [sflag:s15], $0x1000  }
0xa7: {  	[sflag:s15] =	ssyncset.done $0x0  }
0xa8: {  	s17 =	simm.s32 $0x1B770;
	[sflag:s15] =	ssyncadd.s32 $0xFFFFF000  }
0xa9: {  	v0 =	vld [tilespmem:s17+$0x0]  }
0xaa: {  	v1 =	vld [tilespmem:s17+$0xFFFFFFA0]  }
0xab: {  	v2 =	vld [tilespmem:s17+$0xFFFFFFB0]  }
0xac: {  	v3 =	vld [tilespmem:s17+$0xFFFFFFC0]  }
0xad: {  	v4 =	vld [tilespmem:s17+$0xFFFFFFD0]  }
0xae: {  	v6 =	vld [tilespmem:s17+$0xFFFFFFE0]  }
0xaf: {  	v7 =	vld [tilespmem:s17+$0xFFFFFFF0]  }
0xb0: {  	v8 =	vld [tilespmem:s17+$0xFFFFFF90]  }
0xb1: {  	v9 =	vld.idx.msk [tilespmem:v0+s2+$0x0], $0xffff  }
0xb2: {  	v10 =	vld.idx.msk [tilespmem:v1+s2+$0x0], $0xffff  }
0xb3: {  	v5 =	vld.idx.msk [tilespmem:v2+s2+$0x0], $0xffff  }
0xb4: {  	v3 =	vld.idx.msk [tilespmem:v3+s2+$0x0], $0xffff  }
0xb5: {  	v0 =	vld.idx.msk [tilespmem:v4+s2+$0x0], $0xffff  }
0xb6: {  	s17 =	simm.s32 $0x1C7F0;
	v1 =	vld.idx.msk [tilespmem:v6+s2+$0x0], $0xffff  }
0xb7: {  	v2 =	vld.idx.msk [tilespmem:v7+s2+$0x0], $0xffff;
	[tilespmem:s17+$0x0] =	vst v9  }
0xb8: {  	s18 =	simm.s32 $0x0;
	s19 =	simm.s32 $0x1B7F0;
	v4 =	vld.idx.msk [tilespmem:v8+s2+$0x0], $0xffff;
	[tilespmem:s17+$0xFFFFFFA0] =	vst v10  }
.LBB2_15:
0xb9: {  	v6 =	vld [tilespmem:s19+$0x0];
	s18 =	sadd.s32 $0x80, s18;
	[tilespmem:s17+$0xFFFFFFB0] =	vst v5  }
0xba: {  	v5 =	vld [tilespmem:s19+$0xFFFFFFA0];
	p0 =	slt.u32 s18, $0xF80;
	[tilespmem:s17+$0xFFFFFFC0] =	vst v3  }
0xbb: {  	v3 =	vld [tilespmem:s19+$0xFFFFFFB0];
	[tilespmem:s17+$0xFFFFFFD0] =	vst v0  }
0xbc: {  	v0 =	vld [tilespmem:s19+$0xFFFFFFC0];
	[tilespmem:s17+$0xFFFFFFE0] =	vst v1  }
0xbd: {  	v1 =	vld [tilespmem:s19+$0xFFFFFFD0];
	[tilespmem:s17+$0xFFFFFFF0] =	vst v2  }
0xbe: {  	v2 =	vld [tilespmem:s19+$0xFFFFFFE0];
	[tilespmem:s17+$0xFFFFFF90] =	vst v4  }
0xbf: {  	v4 =	vld [tilespmem:s19+$0xFFFFFFF0]  }
0xc0: {  	v7 =	vld [tilespmem:s19+$0xFFFFFF90]  }
0xc1: {  	v6 =	vld.idx.msk [tilespmem:v6+s2+$0x0], $0xffff  }
0xc2: {  	v8 =	vld.idx.msk [tilespmem:v5+s2+$0x0], $0xffff  }
0xc3: {  	v5 =	vld.idx.msk [tilespmem:v3+s2+$0x0], $0xffff  }
.Ltmp7:
0xc4: {  	v3 =	vld.idx.msk [tilespmem:v0+s2+$0x0], $0xffff;
	(pc) =	sbr.rel @p0 .LBB2_15-.Ltmp7, $4  }
0xc5: {  	v0 =	vld.idx.msk [tilespmem:v1+s2+$0x0], $0xffff  }
0xc6: {  	s17 =	sadd.s32 $0x100, s17;
	v1 =	vld.idx.msk [tilespmem:v2+s2+$0x0], $0xffff  }
0xc7: {  	v2 =	vld.idx.msk [tilespmem:v4+s2+$0x0], $0xffff;
	[tilespmem:s17+$0x0] =	vst v6  }
0xc8: {  	s19 =	sadd.s32 $0x80, s19;
	v4 =	vld.idx.msk [tilespmem:v7+s2+$0x0], $0xffff;
	[tilespmem:s17+$0xFFFFFFA0] =	vst v8  }
0xc9: {  	[tilespmem:s17+$0xFFFFFFB0] =	vst v5  }
0xca: {  	[tilespmem:s17+$0xFFFFFFC0] =	vst v3  }
0xcb: {  	[tilespmem:s17+$0xFFFFFFD0] =	vst v0  }
0xcc: {  	[tilespmem:s17+$0xFFFFFFE0] =	vst v1  }
0xcd: {  	s18 =	simm.s32 $0x1C780;
	[tilespmem:s17+$0xFFFFFFF0] =	vst v2  }
0xce: {  	s20 =	sadd.s32 $0x0, s6;
	s19 =	simm.s32 $0x1C880;
	[tilespmem:s17+$0xFFFFFF90] =	vst v4;
	s17 =	simm.s32 $0x80  }
.LBB2_17:
0xcf: {  	[hbm4b:s20+s2] =	stream.linear.scatter [tilespmem:s18], [sflag:$0x2], $0x80, $0x38;
	[tilespmem:$0x1E700] =	vst v63  }
0xd0: {  	s20 =	smov.u32 s17;
	s18 =	smov.u32 s19;
	p0 =	sne.s32 s17, $0xF80  }
.Ltmp8:
0xd1: {  	s17 =	sadd.s32 $0x80, s17;
	(pc) =	sbr.rel @p0 .LBB2_17-.Ltmp8, $2  }
0xd2: {  	_ =	sdelay $0x2  }
0xd3: {  	s19 =	sadd.s32 $0x100, s19;
	s20 =	sadd.s32 s20, s6  }
0xd4: {  	[hbm4b:s20+s2] =	stream.linear.scatter [tilespmem:s18], [sflag:$0x2], $0x80, $0x38;
	[tilespmem:$0x1E700] =	vst v63  }
0xd5: {  	s16 =	sadd.s32 $0x1, s16  }
0xd6: {  	_ =	swait.ge [sflag:s15], $0x1000;
	p0 =	sne.s32 s16, s9  }
.Ltmp9:
0xd7: {  	[sflag:s15] =	ssyncset.done $0x0;
	(pc) =	sbr.rel @p0 .LBB2_2-.Ltmp9, $4  }
0xd8: {  	[sflag:s15] =	ssyncadd.s32 $0xFFFFF000  }
0xd9: {  	_ =	swait.ge [sflag:s15], $0x1000  }
0xda: {  	[sflag:s15] =	ssyncset.done $0x0  }
0xdb: {  	[sflag:s15] =	ssyncadd.s32 $0xFFFFF000  }
.LBB2_19:
0xdc: {  	_ =	sfence.sel $0x180000  }
0xdd: {  	[bflag:$0x0] =	sbarrier.arrive $0xFFFF  }
0xde: {  	p0 =	sne.s32 s1, $0x0;
	_ =	strace $0x90000047  }
0xdf: {  	s0 =	sadd.s32 @!p0 $0x100000, s0;
	[bflag:$0x2] =	sbarrier.arrive $0xFFFF  }
0xe0: {  	[sflag:s0] =	ssyncadd.tile.s32 @!p0 $0x1;
	_ =	shalt  }
.Lfunc_end2:
_tile_overlayer_lowered:
.L_overlay_start_2:
0xe1: {  	(tag) =	ssettag $0x2  }
0xe2: {  	s0 =	rddreg [dreg:$0x0];
	s2 =	stileid.u32  }
0xe3: {  	s1 =	rddreg [dreg:$0x1];
	p0 =	sne.s32 s2, $0x0  }
0xe4: {  	s3 =	rddreg [dreg:$0x2];
	[bflag:$0x3] =	sbarrier.arrive $0xFFFF;
	s2 =	simm.s32 @!p0 $0x1C03  }
0xe5: {  	[timem:s3], [sflag:s2] =	dma.local @!p0 [hbm:s0], s1  }
0xe6: {  	s0 =	simm.s32 @!p0 $0x3  }
0xe7: {  	_ =	swait.ge @!p0 [sflag:s0], s1  }
0xe8: {  	s1 =	ssub.s32 @!p0 $0x0, s1;
	[sflag:s0] =	ssyncset.done @!p0 $0x0  }
0xe9: {  	[sflag:s0] =	ssyncadd.s32 @!p0 s1  }
0xea: {  	[bflag:$0x3] =	sbarrier.arrive $0xFFFF  }
0xeb: {  	_ =	shalt  }

</sc_bundles>
